<compile_context>
chip_gen: v7x
topology: tpu7x:2x2x1
jax: 0.10.2.dev20260603
libtpu: 0.0.44.dev20260713+nightly
codegen_flags: <defaults>
</compile_context>

<pallas_src>
import functools

import jax
import jax.numpy as jnp
from jax import lax
from jax.experimental import pallas as pl
from jax.experimental.pallas import tpu as pltpu
from jax.experimental.pallas import tpu_sc as plsc

_TOPK = 9
_POOL = 20
_DIM = 768
_B = 16384
_BLK = 4096
_NW = 32
_LANES = 16


def _batcher_pairs(n):
    pairs = []
    t = (n - 1).bit_length()
    p = 1 << (t - 1)
    while p > 0:
        q = 1 << (t - 1)
        r = 0
        d = p
        while True:
            for i in range(n - d):
                if (i & p) == r:
                    pairs.append((i, i + d))
            if q == p:
                break
            d = q - p
            q >>= 1
            r = p
        p >>= 1
    return pairs


def _top9_pairs(n, k):
    pairs = _batcher_pairs(n)
    needed = set(range(n - k, n))
    kept = []
    for (i, j) in reversed(pairs):
        if i in needed or j in needed:
            kept.append((i, j))
            needed.add(i)
            needed.add(j)
    kept.reverse()
    return kept


_PAIRS = _top9_pairs(_POOL, _TOPK)


def _tc_body(x_ref, kn_ref, out_ref):
    x = x_ref[...]
    kn = kn_ref[...]
    kn_ssq = jnp.sum(kn * kn, axis=1, keepdims=True)
    kn_n = kn / jnp.maximum(jnp.sqrt(kn_ssq), 1e-12)
    ones = jnp.ones((1, _DIM), jnp.float32)
    ssq = lax.dot_general(ones, x * x, (((1,), (1,)), ((), ())),
                          preferred_element_type=jnp.float32)
    inv = 1.0 / jnp.maximum(jnp.sqrt(ssq), 1e-12)
    simt = lax.dot_general(kn_n, x, (((1,), (1,)), ((), ())),
                           preferred_element_type=jnp.float32)
    out_ref[...] = simt * inv


def _tc_stage(x, keys_l):
    return pl.pallas_call(
        _tc_body,
        grid=(_B // _BLK,),
        in_specs=[
            pl.BlockSpec((_BLK, _DIM), lambda i: (i, 0)),
            pl.BlockSpec((_POOL, _DIM), lambda i: (0, 0)),
        ],
        out_specs=pl.BlockSpec((_POOL, _BLK), lambda i: (0, i)),
        out_shape=jax.ShapeDtypeStruct((_POOL, _B), jnp.float32),
    )(x, keys_l)


def _sc_stage(simt):
    rpw = _B // _NW
    mesh = plsc.VectorSubcoreMesh(core_axis_name="c", subcore_axis_name="s")

    @functools.partial(
        pl.kernel,
        mesh=mesh,
        out_type=jax.ShapeDtypeStruct((_NW * _LANES,), jnp.float32),
        scratch_types=[
            pltpu.VMEM((_POOL, rpw), jnp.float32),
            pltpu.VMEM((_LANES,), jnp.float32),
        ],
    )
    def k(simt_hbm, out_hbm, sim_v, acc_v):
        wid = lax.axis_index("s") * 2 + lax.axis_index("c")
        base = wid * rpw
        pltpu.sync_copy(simt_hbm.at[:, pl.ds(base, rpw)], sim_v)

        def body(g, acc):
            start = pl.multiple_of(g * _LANES, _LANES)
            vs = [sim_v[j, pl.ds(start, _LANES)] for j in range(_POOL)]
            for (i, j) in _PAIRS:
                lo = jnp.minimum(vs[i], vs[j])
                hi = jnp.maximum(vs[i], vs[j])
                vs[i] = lo
                vs[j] = hi
            s = vs[_POOL - _TOPK]
            for t in range(_POOL - _TOPK + 1, _POOL):
                s = s + vs[t]
            return acc + s

        acc = lax.fori_loop(0, rpw // _LANES, body,
                            jnp.zeros((_LANES,), jnp.float32))
        acc_v[...] = acc
        pltpu.sync_copy(acc_v, out_hbm.at[pl.ds(wid * _LANES, _LANES)])

    return k(simt)


def kernel(x, keys, prompts, layer):
    keys_l = lax.dynamic_index_in_dim(keys, layer, 0, keepdims=False)
    simt = _tc_stage(x, keys_l)
    partials = _sc_stage(simt)
    total = jnp.sum(partials)
    return (jnp.float32(1.0) - total / jnp.float32(_B * _TOPK)).astype(jnp.float32)

# --- scband reference (transcript-rebuilt; emitter-appended) ---
"""Pipeline reference for scband-pool-46935402610870 (READ-ONLY COPY).

The authoritative reference and input builder live on the scoring server;
editing this copy changes nothing except your own understanding.
"""

import jax, jax.numpy as jnp
import numpy as np

TOPK = 9
NUM_LAYERS = 12
POOL_SIZE = 20
DIM = 768
B = 16384


def _normalize(v):
    n = jnp.linalg.norm(v, axis=-1, keepdims=True)
    return v / jnp.maximum(n, 1e-12)


def setup_inputs(seed: int = 0) -> dict:
    key = jax.random.key(seed)
    k1, k2, k3 = jax.random.split(key, 3)
    x = jax.random.normal(k1, (B, DIM), dtype=jnp.float32)
    # nn.Parameter initialized then .uniform_(-1, 1)
    keys = jax.random.uniform(k2, (NUM_LAYERS, POOL_SIZE, DIM), minval=-1.0, maxval=1.0, dtype=jnp.float32)
    prompts = jax.random.uniform(k3, (NUM_LAYERS, POOL_SIZE, 1, DIM), minval=-1.0, maxval=1.0, dtype=jnp.float32)
    return {"x": x, "keys": keys, "prompts": prompts, "layer": 5}


def reference(x, keys, prompts, layer):
    # Faithful translation of Pool.forward with random=False, return_index=False
    keys_l = keys[layer]            # [pool_size, dim]
    _prompts_l = prompts[layer]     # selected in torch forward but unused in output
    xn = _normalize(x)              # F.normalize(x, dim=-1)
    kn = _normalize(keys_l)         # F.normalize(keys, dim=-1)
    sim = jnp.matmul(xn, kn.T)      # [B, pool_size]
    # torch.topk -> values/indices; gather of sim by topk indices == topk values
    topk_vals, topk_idx = jax.lax.top_k(sim, TOPK)
    sim_topk = jnp.take_along_axis(sim, topk_idx, axis=1)
    dist = 1.0 - sim_topk
    return dist.mean()

if __name__ == "__main__":
    import jax
    _d = setup_inputs()
    print(jax.jit(kernel)(*tuple(_d.values())))

</pallas_src>

<mosaic_0001>
#map = affine_map<(d0, d1) -> (0, 0)>
#map1 = affine_map<(d0, d1) -> (0)>
module attributes {stable_mosaic.version = 14 : i64} {
  func.func @k(%arg0: i32, %arg1: i32, %arg2: memref<20x16384xf32, #tpu.memory_space<hbm>>, %arg3: memref<512xf32, #tpu.memory_space<hbm>>, %arg4: memref<20x512xf32, #tpu.memory_space<vmem>>, %arg5: memref<16xf32, #tpu.memory_space<vmem>>) attributes {dimension_semantics = [#tpu.dimension_semantics<core_parallel>, #tpu.dimension_semantics<subcore_parallel>], iteration_bounds = array<i64: 2, 16>, scalar_prefetch = 0 : i64, scratch_operands = 2 : i64, tpu.core_type = #tpu.core_type<sc_vector_subcore>, window_params = [{transform_indices = #map}, {transform_indices = #map1}]} {
    %mul3A = arith.constant 2 : i32
    %mul3A_0 = arith.muli %arg1, %mul3A : i32
    %add3A = arith.addi %mul3A_0, %arg0 : i32
    %mul3A_1 = arith.constant 512 : i32
    %mul3A_2 = arith.muli %add3A, %mul3A_1 : i32
    "tpu.region"() ({
      %run_scoped3A = tpu.sem_alloc : memref<!tpu.dma_semaphore, #tpu.memory_space<semaphore_mem>>
      %dma_start3A = arith.constant 0 : i32
      %dma_start3A_14 = tpu.memref_slice %arg2[%dma_start3A, %mul3A_2] : memref<20x16384xf32, #tpu.memory_space<hbm>> -> memref<20x512xf32, #tpu.memory_space<hbm>>
      %dma_start3A_15 = arith.constant 0 : i32
      %dma_start3A_16 = tpu.memref_slice %arg2[%dma_start3A_15, %mul3A_2] : memref<20x16384xf32, #tpu.memory_space<hbm>> -> memref<20x512xf32, #tpu.memory_space<hbm>>
      tpu.enqueue_dma source(%dma_start3A_16 : memref<20x512xf32, #tpu.memory_space<hbm>>) target(%arg4 : memref<20x512xf32, #tpu.memory_space<vmem>>) target_semaphore(%run_scoped3A : memref<!tpu.dma_semaphore, #tpu.memory_space<semaphore_mem>>)
      %dma_wait3A = arith.constant 0 : i32
      %dma_wait3A_17 = tpu.memref_slice %arg2[%dma_wait3A, %mul3A_2] : memref<20x16384xf32, #tpu.memory_space<hbm>> -> memref<20x512xf32, #tpu.memory_space<hbm>>
      %dma_wait3A_18 = arith.constant 0 : i32
      %dma_wait3A_19 = tpu.memref_slice %arg2[%dma_wait3A_18, %mul3A_2] : memref<20x16384xf32, #tpu.memory_space<hbm>> -> memref<20x512xf32, #tpu.memory_space<hbm>>
      tpu.wait_dma2 semaphore(%run_scoped3A : memref<!tpu.dma_semaphore, #tpu.memory_space<semaphore_mem>>) src(%dma_wait3A_19 : memref<20x512xf32, #tpu.memory_space<hbm>>) dst(%arg4 : memref<20x512xf32, #tpu.memory_space<vmem>>)
      tpu.yield
    }) : () -> ()
    %broadcast_in_dim3A = arith.constant 0.000000e+00 : f32
    %broadcast_in_dim3A_3 = vector.broadcast %broadcast_in_dim3A : f32 to vector<16xf32>
    %scan3A = arith.constant 0 : i32
    %scan3A_4 = arith.constant 32 : i32
    %scan3A_5 = arith.addi %scan3A, %scan3A_4 : i32
    %scan3A_6 = arith.constant 1 : i32
    %scan3A_7 = scf.for %scan3A_14 = %scan3A to %scan3A_5 step %scan3A_6 iter_args(%scan3A_15 = %broadcast_in_dim3A_3) -> (vector<16xf32>)  : i32 {
      %mul3A_16 = arith.constant 16 : i32
      %mul3A_17 = arith.muli %scan3A_14, %mul3A_16 : i32
      %multiple_of3A = tpu.assume_multiple %mul3A_17, 16 : i32
      %get3A = arith.constant 0 : i32
      %get3A_18 = arith.index_cast %get3A : i32 to index
      %get3A_19 = arith.index_cast %multiple_of3A : i32 to index
      %get3A_20 = tpu.vector_load %arg4[%get3A_18, %get3A_19] {strides = array<i32>} : memref<20x512xf32, #tpu.memory_space<vmem>>, vector<1x16xf32>,
      %get3A_21 = vector.shape_cast %get3A_20 : vector<1x16xf32> to vector<16xf32>
      %get3A_22 = arith.constant 1 : i32
      %get3A_23 = arith.index_cast %get3A_22 : i32 to index
      %get3A_24 = arith.index_cast %multiple_of3A : i32 to index
      %get3A_25 = tpu.vector_load %arg4[%get3A_23, %get3A_24] {strides = array<i32>} : memref<20x512xf32, #tpu.memory_space<vmem>>, vector<1x16xf32>,
      %get3A_26 = vector.shape_cast %get3A_25 : vector<1x16xf32> to vector<16xf32>
      %get3A_27 = arith.constant 2 : i32
      %get3A_28 = arith.index_cast %get3A_27 : i32 to index
      %get3A_29 = arith.index_cast %multiple_of3A : i32 to index
      %get3A_30 = tpu.vector_load %arg4[%get3A_28, %get3A_29] {strides = array<i32>} : memref<20x512xf32, #tpu.memory_space<vmem>>, vector<1x16xf32>,
      %get3A_31 = vector.shape_cast %get3A_30 : vector<1x16xf32> to vector<16xf32>
      %get3A_32 = arith.constant 3 : i32
      %get3A_33 = arith.index_cast %get3A_32 : i32 to index
      %get3A_34 = arith.index_cast %multiple_of3A : i32 to index
      %get3A_35 = tpu.vector_load %arg4[%get3A_33, %get3A_34] {strides = array<i32>} : memref<20x512xf32, #tpu.memory_space<vmem>>, vector<1x16xf32>,
      %get3A_36 = vector.shape_cast %get3A_35 : vector<1x16xf32> to vector<16xf32>
      %get3A_37 = arith.constant 4 : i32
      %get3A_38 = arith.index_cast %get3A_37 : i32 to index
      %get3A_39 = arith.index_cast %multiple_of3A : i32 to index
      %get3A_40 = tpu.vector_load %arg4[%get3A_38, %get3A_39] {strides = array<i32>} : memref<20x512xf32, #tpu.memory_space<vmem>>, vector<1x16xf32>,
      %get3A_41 = vector.shape_cast %get3A_40 : vector<1x16xf32> to vector<16xf32>
      %get3A_42 = arith.constant 5 : i32
      %get3A_43 = arith.index_cast %get3A_42 : i32 to index
      %get3A_44 = arith.index_cast %multiple_of3A : i32 to index
      %get3A_45 = tpu.vector_load %arg4[%get3A_43, %get3A_44] {strides = array<i32>} : memref<20x512xf32, #tpu.memory_space<vmem>>, vector<1x16xf32>,
      %get3A_46 = vector.shape_cast %get3A_45 : vector<1x16xf32> to vector<16xf32>
      %get3A_47 = arith.constant 6 : i32
      %get3A_48 = arith.index_cast %get3A_47 : i32 to index
      %get3A_49 = arith.index_cast %multiple_of3A : i32 to index
      %get3A_50 = tpu.vector_load %arg4[%get3A_48, %get3A_49] {strides = array<i32>} : memref<20x512xf32, #tpu.memory_space<vmem>>, vector<1x16xf32>,
      %get3A_51 = vector.shape_cast %get3A_50 : vector<1x16xf32> to vector<16xf32>
      %get3A_52 = arith.constant 7 : i32
      %get3A_53 = arith.index_cast %get3A_52 : i32 to index
      %get3A_54 = arith.index_cast %multiple_of3A : i32 to index
      %get3A_55 = tpu.vector_load %arg4[%get3A_53, %get3A_54] {strides = array<i32>} : memref<20x512xf32, #tpu.memory_space<vmem>>, vector<1x16xf32>,
      %get3A_56 = vector.shape_cast %get3A_55 : vector<1x16xf32> to vector<16xf32>
      %get3A_57 = arith.constant 8 : i32
      %get3A_58 = arith.index_cast %get3A_57 : i32 to index
      %get3A_59 = arith.index_cast %multiple_of3A : i32 to index
      %get3A_60 = tpu.vector_load %arg4[%get3A_58, %get3A_59] {strides = array<i32>} : memref<20x512xf32, #tpu.memory_space<vmem>>, vector<1x16xf32>,
      %get3A_61 = vector.shape_cast %get3A_60 : vector<1x16xf32> to vector<16xf32>
      %get3A_62 = arith.constant 9 : i32
      %get3A_63 = arith.index_cast %get3A_62 : i32 to index
      %get3A_64 = arith.index_cast %multiple_of3A : i32 to index
      %get3A_65 = tpu.vector_load %arg4[%get3A_63, %get3A_64] {strides = array<i32>} : memref<20x512xf32, #tpu.memory_space<vmem>>, vector<1x16xf32>,
      %get3A_66 = vector.shape_cast %get3A_65 : vector<1x16xf32> to vector<16xf32>
      %get3A_67 = arith.constant 10 : i32
      %get3A_68 = arith.index_cast %get3A_67 : i32 to index
      %get3A_69 = arith.index_cast %multiple_of3A : i32 to index
      %get3A_70 = tpu.vector_load %arg4[%get3A_68, %get3A_69] {strides = array<i32>} : memref<20x512xf32, #tpu.memory_space<vmem>>, vector<1x16xf32>,
      %get3A_71 = vector.shape_cast %get3A_70 : vector<1x16xf32> to vector<16xf32>
      %get3A_72 = arith.constant 11 : i32
      %get3A_73 = arith.index_cast %get3A_72 : i32 to index
      %get3A_74 = arith.index_cast %multiple_of3A : i32 to index
      %get3A_75 = tpu.vector_load %arg4[%get3A_73, %get3A_74] {strides = array<i32>} : memref<20x512xf32, #tpu.memory_space<vmem>>, vector<1x16xf32>,
      %get3A_76 = vector.shape_cast %get3A_75 : vector<1x16xf32> to vector<16xf32>
      %get3A_77 = arith.constant 12 : i32
      %get3A_78 = arith.index_cast %get3A_77 : i32 to index
      %get3A_79 = arith.index_cast %multiple_of3A : i32 to index
      %get3A_80 = tpu.vector_load %arg4[%get3A_78, %get3A_79] {strides = array<i32>} : memref<20x512xf32, #tpu.memory_space<vmem>>, vector<1x16xf32>,
      %get3A_81 = vector.shape_cast %get3A_80 : vector<1x16xf32> to vector<16xf32>
      %get3A_82 = arith.constant 13 : i32
      %get3A_83 = arith.index_cast %get3A_82 : i32 to index
      %get3A_84 = arith.index_cast %multiple_of3A : i32 to index
      %get3A_85 = tpu.vector_load %arg4[%get3A_83, %get3A_84] {strides = array<i32>} : memref<20x512xf32, #tpu.memory_space<vmem>>, vector<1x16xf32>,
      %get3A_86 = vector.shape_cast %get3A_85 : vector<1x16xf32> to vector<16xf32>
      %get3A_87 = arith.constant 14 : i32
      %get3A_88 = arith.index_cast %get3A_87 : i32 to index
      %get3A_89 = arith.index_cast %multiple_of3A : i32 to index
      %get3A_90 = tpu.vector_load %arg4[%get3A_88, %get3A_89] {strides = array<i32>} : memref<20x512xf32, #tpu.memory_space<vmem>>, vector<1x16xf32>,
      %get3A_91 = vector.shape_cast %get3A_90 : vector<1x16xf32> to vector<16xf32>
      %get3A_92 = arith.constant 15 : i32
      %get3A_93 = arith.index_cast %get3A_92 : i32 to index
      %get3A_94 = arith.index_cast %multiple_of3A : i32 to index
      %get3A_95 = tpu.vector_load %arg4[%get3A_93, %get3A_94] {strides = array<i32>} : memref<20x512xf32, #tpu.memory_space<vmem>>, vector<1x16xf32>,
      %get3A_96 = vector.shape_cast %get3A_95 : vector<1x16xf32> to vector<16xf32>
      %get3A_97 = arith.constant 16 : i32
      %get3A_98 = arith.index_cast %get3A_97 : i32 to index
      %get3A_99 = arith.index_cast %multiple_of3A : i32 to index
      %get3A_100 = tpu.vector_load %arg4[%get3A_98, %get3A_99] {strides = array<i32>} : memref<20x512xf32, #tpu.memory_space<vmem>>, vector<1x16xf32>,
      %get3A_101 = vector.shape_cast %get3A_100 : vector<1x16xf32> to vector<16xf32>
      %get3A_102 = arith.constant 17 : i32
      %get3A_103 = arith.index_cast %get3A_102 : i32 to index
      %get3A_104 = arith.index_cast %multiple_of3A : i32 to index
      %get3A_105 = tpu.vector_load %arg4[%get3A_103, %get3A_104] {strides = array<i32>} : memref<20x512xf32, #tpu.memory_space<vmem>>, vector<1x16xf32>,
      %get3A_106 = vector.shape_cast %get3A_105 : vector<1x16xf32> to vector<16xf32>
      %get3A_107 = arith.constant 18 : i32
      %get3A_108 = arith.index_cast %get3A_107 : i32 to index
      %get3A_109 = arith.index_cast %multiple_of3A : i32 to index
      %get3A_110 = tpu.vector_load %arg4[%get3A_108, %get3A_109] {strides = array<i32>} : memref<20x512xf32, #tpu.memory_space<vmem>>, vector<1x16xf32>,
      %get3A_111 = vector.shape_cast %get3A_110 : vector<1x16xf32> to vector<16xf32>
      %get3A_112 = arith.constant 19 : i32
      %get3A_113 = arith.index_cast %get3A_112 : i32 to index
      %get3A_114 = arith.index_cast %multiple_of3A : i32 to index
      %get3A_115 = tpu.vector_load %arg4[%get3A_113, %get3A_114] {strides = array<i32>} : memref<20x512xf32, #tpu.memory_space<vmem>>, vector<1x16xf32>,
      %get3A_116 = vector.shape_cast %get3A_115 : vector<1x16xf32> to vector<16xf32>
      %min3A = arith.minimumf %get3A_21, %get3A_101 : vector<16xf32>
      %max3A = arith.maximumf %get3A_21, %get3A_101 : vector<16xf32>
      %min3A_117 = arith.minimumf %get3A_26, %get3A_106 : vector<16xf32>
      %max3A_118 = arith.maximumf %get3A_26, %get3A_106 : vector<16xf32>
      %min3A_119 = arith.minimumf %get3A_31, %get3A_111 : vector<16xf32>
      %max3A_120 = arith.maximumf %get3A_31, %get3A_111 : vector<16xf32>
      %min3A_121 = arith.minimumf %get3A_36, %get3A_116 : vector<16xf32>
      %max3A_122 = arith.maximumf %get3A_36, %get3A_116 : vector<16xf32>
      %min3A_123 = arith.minimumf %min3A, %get3A_61 : vector<16xf32>
      %max3A_124 = arith.maximumf %min3A, %get3A_61 : vector<16xf32>
      %min3A_125 = arith.minimumf %min3A_117, %get3A_66 : vector<16xf32>
      %max3A_126 = arith.maximumf %min3A_117, %get3A_66 : vector<16xf32>
      %min3A_127 = arith.minimumf %min3A_119, %get3A_71 : vector<16xf32>
      %max3A_128 = arith.maximumf %min3A_119, %get3A_71 : vector<16xf32>
      %min3A_129 = arith.minimumf %min3A_121, %get3A_76 : vector<16xf32>
      %max3A_130 = arith.maximumf %min3A_121, %get3A_76 : vector<16xf32>
      %min3A_131 = arith.minimumf %get3A_41, %get3A_81 : vector<16xf32>
      %max3A_132 = arith.maximumf %get3A_41, %get3A_81 : vector<16xf32>
      %min3A_133 = arith.minimumf %get3A_46, %get3A_86 : vector<16xf32>
      %max3A_134 = arith.maximumf %get3A_46, %get3A_86 : vector<16xf32>
      %min3A_135 = arith.minimumf %get3A_51, %get3A_91 : vector<16xf32>
      %max3A_136 = arith.maximumf %get3A_51, %get3A_91 : vector<16xf32>
      %min3A_137 = arith.minimumf %get3A_56, %get3A_96 : vector<16xf32>
      %max3A_138 = arith.maximumf %get3A_56, %get3A_96 : vector<16xf32>
      %min3A_139 = arith.minimumf %max3A_124, %max3A : vector<16xf32>
      %max3A_140 = arith.maximumf %max3A_124, %max3A : vector<16xf32>
      %min3A_141 = arith.minimumf %max3A_126, %max3A_118 : vector<16xf32>
      %max3A_142 = arith.maximumf %max3A_126, %max3A_118 : vector<16xf32>
      %min3A_143 = arith.minimumf %max3A_128, %max3A_120 : vector<16xf32>
      %max3A_144 = arith.maximumf %max3A_128, %max3A_120 : vector<16xf32>
      %min3A_145 = arith.minimumf %max3A_130, %max3A_122 : vector<16xf32>
      %max3A_146 = arith.maximumf %max3A_130, %max3A_122 : vector<16xf32>
      %min3A_147 = arith.minimumf %min3A_123, %min3A_131 : vector<16xf32>
      %max3A_148 = arith.maximumf %min3A_123, %min3A_131 : vector<16xf32>
      %min3A_149 = arith.minimumf %min3A_125, %min3A_133 : vector<16xf32>
      %max3A_150 = arith.maximumf %min3A_125, %min3A_133 : vector<16xf32>
      %min3A_151 = arith.minimumf %min3A_127, %min3A_135 : vector<16xf32>
      %max3A_152 = arith.maximumf %min3A_127, %min3A_135 : vector<16xf32>
      %min3A_153 = arith.minimumf %min3A_129, %min3A_137 : vector<16xf32>
      %max3A_154 = arith.maximumf %min3A_129, %min3A_137 : vector<16xf32>
      %min3A_155 = arith.minimumf %min3A_139, %max3A_132 : vector<16xf32>
      %max3A_156 = arith.maximumf %min3A_139, %max3A_132 : vector<16xf32>
      %min3A_157 = arith.minimumf %min3A_141, %max3A_134 : vector<16xf32>
      %max3A_158 = arith.maximumf %min3A_141, %max3A_134 : vector<16xf32>
      %min3A_159 = arith.minimumf %min3A_143, %max3A_136 : vector<16xf32>
      %max3A_160 = arith.maximumf %min3A_143, %max3A_136 : vector<16xf32>
      %min3A_161 = arith.minimumf %min3A_145, %max3A_138 : vector<16xf32>
      %max3A_162 = arith.maximumf %min3A_145, %max3A_138 : vector<16xf32>
      %min3A_163 = arith.minimumf %max3A_148, %max3A_140 : vector<16xf32>
      %max3A_164 = arith.maximumf %max3A_148, %max3A_140 : vector<16xf32>
      %min3A_165 = arith.minimumf %max3A_150, %max3A_142 : vector<16xf32>
      %max3A_166 = arith.maximumf %max3A_150, %max3A_142 : vector<16xf32>
      %min3A_167 = arith.minimumf %max3A_152, %max3A_144 : vector<16xf32>
      %max3A_168 = arith.maximumf %max3A_152, %max3A_144 : vector<16xf32>
      %min3A_169 = arith.minimumf %max3A_154, %max3A_146 : vector<16xf32>
      %max3A_170 = arith.maximumf %max3A_154, %max3A_146 : vector<16xf32>
      %min3A_171 = arith.minimumf %min3A_163, %min3A_155 : vector<16xf32>
      %max3A_172 = arith.maximumf %min3A_163, %min3A_155 : vector<16xf32>
      %min3A_173 = arith.minimumf %min3A_165, %min3A_157 : vector<16xf32>
      %max3A_174 = arith.maximumf %min3A_165, %min3A_157 : vector<16xf32>
      %min3A_175 = arith.minimumf %min3A_167, %min3A_159 : vector<16xf32>
      %max3A_176 = arith.maximumf %min3A_167, %min3A_159 : vector<16xf32>
      %min3A_177 = arith.minimumf %min3A_169, %min3A_161 : vector<16xf32>
      %max3A_178 = arith.maximumf %min3A_169, %min3A_161 : vector<16xf32>
      %min3A_179 = arith.minimumf %max3A_156, %max3A_164 : vector<16xf32>
      %max3A_180 = arith.maximumf %max3A_156, %max3A_164 : vector<16xf32>
      %min3A_181 = arith.minimumf %max3A_158, %max3A_166 : vector<16xf32>
      %max3A_182 = arith.maximumf %max3A_158, %max3A_166 : vector<16xf32>
      %min3A_183 = arith.minimumf %max3A_160, %max3A_168 : vector<16xf32>
      %max3A_184 = arith.maximumf %max3A_160, %max3A_168 : vector<16xf32>
      %min3A_185 = arith.minimumf %max3A_162, %max3A_170 : vector<16xf32>
      %max3A_186 = arith.maximumf %max3A_162, %max3A_170 : vector<16xf32>
      %min3A_187 = arith.minimumf %min3A_147, %min3A_151 : vector<16xf32>
      %max3A_188 = arith.maximumf %min3A_147, %min3A_151 : vector<16xf32>
      %min3A_189 = arith.minimumf %min3A_149, %min3A_153 : vector<16xf32>
      %max3A_190 = arith.maximumf %min3A_149, %min3A_153 : vector<16xf32>
      %min3A_191 = arith.minimumf %min3A_171, %min3A_175 : vector<16xf32>
      %max3A_192 = arith.maximumf %min3A_171, %min3A_175 : vector<16xf32>
      %min3A_193 = arith.minimumf %min3A_173, %min3A_177 : vector<16xf32>
      %max3A_194 = arith.maximumf %min3A_173, %min3A_177 : vector<16xf32>
      %min3A_195 = arith.minimumf %max3A_172, %max3A_176 : vector<16xf32>
      %max3A_196 = arith.maximumf %max3A_172, %max3A_176 : vector<16xf32>
      %min3A_197 = arith.minimumf %max3A_174, %max3A_178 : vector<16xf32>
      %max3A_198 = arith.maximumf %max3A_174, %max3A_178 : vector<16xf32>
      %min3A_199 = arith.minimumf %min3A_179, %min3A_183 : vector<16xf32>
      %max3A_200 = arith.maximumf %min3A_179, %min3A_183 : vector<16xf32>
      %min3A_201 = arith.minimumf %min3A_181, %min3A_185 : vector<16xf32>
      %max3A_202 = arith.maximumf %min3A_181, %min3A_185 : vector<16xf32>
      %min3A_203 = arith.minimumf %max3A_180, %max3A_184 : vector<16xf32>
      %max3A_204 = arith.maximumf %max3A_180, %max3A_184 : vector<16xf32>
      %min3A_205 = arith.minimumf %max3A_182, %max3A_186 : vector<16xf32>
      %max3A_206 = arith.maximumf %max3A_182, %max3A_186 : vector<16xf32>
      %min3A_207 = arith.minimumf %max3A_188, %min3A_203 : vector<16xf32>
      %max3A_208 = arith.maximumf %max3A_188, %min3A_203 : vector<16xf32>
      %min3A_209 = arith.minimumf %max3A_190, %min3A_205 : vector<16xf32>
      %max3A_210 = arith.maximumf %max3A_190, %min3A_205 : vector<16xf32>
      %min3A_211 = arith.minimumf %min3A_207, %min3A_195 : vector<16xf32>
      %max3A_212 = arith.maximumf %min3A_207, %min3A_195 : vector<16xf32>
      %min3A_213 = arith.minimumf %min3A_209, %min3A_197 : vector<16xf32>
      %max3A_214 = arith.maximumf %min3A_209, %min3A_197 : vector<16xf32>
      %min3A_215 = arith.minimumf %max3A_192, %min3A_199 : vector<16xf32>
      %max3A_216 = arith.maximumf %max3A_192, %min3A_199 : vector<16xf32>
      %min3A_217 = arith.minimumf %max3A_194, %min3A_201 : vector<16xf32>
      %max3A_218 = arith.maximumf %max3A_194, %min3A_201 : vector<16xf32>
      %min3A_219 = arith.minimumf %max3A_196, %max3A_208 : vector<16xf32>
      %max3A_220 = arith.maximumf %max3A_196, %max3A_208 : vector<16xf32>
      %min3A_221 = arith.minimumf %max3A_198, %max3A_210 : vector<16xf32>
      %max3A_222 = arith.maximumf %max3A_198, %max3A_210 : vector<16xf32>
      %min3A_223 = arith.minimumf %min3A_211, %min3A_191 : vector<16xf32>
      %max3A_224 = arith.maximumf %min3A_211, %min3A_191 : vector<16xf32>
      %min3A_225 = arith.minimumf %min3A_213, %min3A_193 : vector<16xf32>
      %max3A_226 = arith.maximumf %min3A_213, %min3A_193 : vector<16xf32>
      %min3A_227 = arith.minimumf %min3A_215, %max3A_212 : vector<16xf32>
      %max3A_228 = arith.maximumf %min3A_215, %max3A_212 : vector<16xf32>
      %min3A_229 = arith.minimumf %min3A_217, %max3A_214 : vector<16xf32>
      %max3A_230 = arith.maximumf %min3A_217, %max3A_214 : vector<16xf32>
      %min3A_231 = arith.minimumf %min3A_219, %max3A_216 : vector<16xf32>
      %max3A_232 = arith.maximumf %min3A_219, %max3A_216 : vector<16xf32>
      %min3A_233 = arith.minimumf %min3A_221, %max3A_218 : vector<16xf32>
      %max3A_234 = arith.maximumf %min3A_221, %max3A_218 : vector<16xf32>
      %min3A_235 = arith.minimumf %max3A_200, %max3A_220 : vector<16xf32>
      %max3A_236 = arith.maximumf %max3A_200, %max3A_220 : vector<16xf32>
      %min3A_237 = arith.minimumf %max3A_202, %max3A_222 : vector<16xf32>
      %max3A_238 = arith.maximumf %max3A_202, %max3A_222 : vector<16xf32>
      %min3A_239 = arith.minimumf %min3A_187, %min3A_189 : vector<16xf32>
      %max3A_240 = arith.maximumf %min3A_187, %min3A_189 : vector<16xf32>
      %min3A_241 = arith.minimumf %min3A_223, %min3A_225 : vector<16xf32>
      %max3A_242 = arith.maximumf %min3A_223, %min3A_225 : vector<16xf32>
      %min3A_243 = arith.minimumf %max3A_224, %max3A_226 : vector<16xf32>
      %max3A_244 = arith.maximumf %max3A_224, %max3A_226 : vector<16xf32>
      %min3A_245 = arith.minimumf %min3A_227, %min3A_229 : vector<16xf32>
      %max3A_246 = arith.maximumf %min3A_227, %min3A_229 : vector<16xf32>
      %min3A_247 = arith.minimumf %max3A_228, %max3A_230 : vector<16xf32>
      %max3A_248 = arith.maximumf %max3A_228, %max3A_230 : vector<16xf32>
      %min3A_249 = arith.minimumf %min3A_231, %min3A_233 : vector<16xf32>
      %max3A_250 = arith.maximumf %min3A_231, %min3A_233 : vector<16xf32>
      %min3A_251 = arith.minimumf %max3A_232, %max3A_234 : vector<16xf32>
      %max3A_252 = arith.maximumf %max3A_232, %max3A_234 : vector<16xf32>
      %min3A_253 = arith.minimumf %min3A_235, %min3A_237 : vector<16xf32>
      %max3A_254 = arith.maximumf %min3A_235, %min3A_237 : vector<16xf32>
      %min3A_255 = arith.minimumf %max3A_236, %max3A_238 : vector<16xf32>
      %max3A_256 = arith.maximumf %max3A_236, %max3A_238 : vector<16xf32>
      %min3A_257 = arith.minimumf %max3A_204, %max3A_206 : vector<16xf32>
      %max3A_258 = arith.maximumf %max3A_204, %max3A_206 : vector<16xf32>
      %min3A_259 = arith.minimumf %max3A_240, %min3A_255 : vector<16xf32>
      %max3A_260 = arith.maximumf %max3A_240, %min3A_255 : vector<16xf32>
      %min3A_261 = arith.minimumf %max3A_242, %min3A_257 : vector<16xf32>
      %max3A_262 = arith.maximumf %max3A_242, %min3A_257 : vector<16xf32>
      %min3A_263 = arith.minimumf %max3A_244, %min3A_251 : vector<16xf32>
      %max3A_264 = arith.maximumf %max3A_244, %min3A_251 : vector<16xf32>
      %min3A_265 = arith.minimumf %max3A_246, %min3A_253 : vector<16xf32>
      %max3A_266 = arith.maximumf %max3A_246, %min3A_253 : vector<16xf32>
      %min3A_267 = arith.minimumf %max3A_248, %max3A_260 : vector<16xf32>
      %max3A_268 = arith.maximumf %max3A_248, %max3A_260 : vector<16xf32>
      %min3A_269 = arith.minimumf %max3A_250, %max3A_262 : vector<16xf32>
      %max3A_270 = arith.maximumf %max3A_250, %max3A_262 : vector<16xf32>
      %min3A_271 = arith.minimumf %min3A_267, %max3A_264 : vector<16xf32>
      %max3A_272 = arith.maximumf %min3A_267, %max3A_264 : vector<16xf32>
      %min3A_273 = arith.minimumf %min3A_269, %max3A_266 : vector<16xf32>
      %max3A_274 = arith.maximumf %min3A_269, %max3A_266 : vector<16xf32>
      %min3A_275 = arith.minimumf %max3A_252, %max3A_268 : vector<16xf32>
      %max3A_276 = arith.maximumf %max3A_252, %max3A_268 : vector<16xf32>
      %min3A_277 = arith.minimumf %max3A_254, %max3A_270 : vector<16xf32>
      %max3A_278 = arith.maximumf %max3A_254, %max3A_270 : vector<16xf32>
      %min3A_279 = arith.minimumf %min3A_273, %max3A_272 : vector<16xf32>
      %max3A_280 = arith.maximumf %min3A_273, %max3A_272 : vector<16xf32>
      %min3A_281 = arith.minimumf %min3A_275, %max3A_274 : vector<16xf32>
      %max3A_282 = arith.maximumf %min3A_275, %max3A_274 : vector<16xf32>
      %min3A_283 = arith.minimumf %min3A_277, %max3A_276 : vector<16xf32>
      %max3A_284 = arith.maximumf %min3A_277, %max3A_276 : vector<16xf32>
      %min3A_285 = arith.minimumf %max3A_256, %max3A_278 : vector<16xf32>
      %max3A_286 = arith.maximumf %max3A_256, %max3A_278 : vector<16xf32>
      %add3A_287 = arith.addf %min3A_279, %max3A_280 : vector<16xf32>
      %add3A_288 = arith.addf %add3A_287, %min3A_281 : vector<16xf32>
      %add3A_289 = arith.addf %add3A_288, %max3A_282 : vector<16xf32>
      %add3A_290 = arith.addf %add3A_289, %min3A_283 : vector<16xf32>
      %add3A_291 = arith.addf %add3A_290, %max3A_284 : vector<16xf32>
      %add3A_292 = arith.addf %add3A_291, %min3A_285 : vector<16xf32>
      %add3A_293 = arith.addf %add3A_292, %max3A_286 : vector<16xf32>
      %add3A_294 = arith.addf %add3A_293, %max3A_258 : vector<16xf32>
      %add3A_295 = arith.addf %scan3A_15, %add3A_294 : vector<16xf32>
      scf.yield %add3A_295 : vector<16xf32>
    }
    %scan3A_8 = arith.constant 32 : i32
    %swap3A = arith.constant 0 : index
    %swap3A_9 = tpu.vector_load %arg5[%swap3A] {strides = array<i32>} : memref<16xf32, #tpu.memory_space<vmem>>, vector<16xf32>,
    %swap3A_10 = vector.shape_cast %swap3A_9 : vector<16xf32> to vector<16xf32>
    %swap3A_11 = vector.shape_cast %scan3A_7 : vector<16xf32> to vector<16xf32>
    tpu.vector_store %arg5[%swap3A], %swap3A_11 {strides = array<i32>} : memref<16xf32, #tpu.memory_space<vmem>>, vector<16xf32>,
    %mul3A_12 = arith.constant 16 : i32
    %mul3A_13 = arith.muli %add3A, %mul3A_12 : i32
    "tpu.region"() ({
      %run_scoped3A = tpu.sem_alloc : memref<!tpu.dma_semaphore, #tpu.memory_space<semaphore_mem>>
      %dma_start3A = tpu.memref_slice %arg3[%mul3A_13] : memref<512xf32, #tpu.memory_space<hbm>> -> memref<16xf32, #tpu.memory_space<hbm>>
      %dma_start3A_14 = tpu.memref_slice %arg3[%mul3A_13] : memref<512xf32, #tpu.memory_space<hbm>> -> memref<16xf32, #tpu.memory_space<hbm>>
      tpu.enqueue_dma source(%arg5 : memref<16xf32, #tpu.memory_space<vmem>>) target(%dma_start3A_14 : memref<16xf32, #tpu.memory_space<hbm>>) target_semaphore(%run_scoped3A : memref<!tpu.dma_semaphore, #tpu.memory_space<semaphore_mem>>)
      %dma_wait3A = tpu.memref_slice %arg3[%mul3A_13] : memref<512xf32, #tpu.memory_space<hbm>> -> memref<16xf32, #tpu.memory_space<hbm>>
      %dma_wait3A_15 = tpu.memref_slice %arg3[%mul3A_13] : memref<512xf32, #tpu.memory_space<hbm>> -> memref<16xf32, #tpu.memory_space<hbm>>
      tpu.wait_dma2 semaphore(%run_scoped3A : memref<!tpu.dma_semaphore, #tpu.memory_space<semaphore_mem>>) src(%arg5 : memref<16xf32, #tpu.memory_space<vmem>>) dst(%dma_wait3A_15 : memref<16xf32, #tpu.memory_space<hbm>>)
      tpu.yield
    }) : () -> ()
    return
  }
}

module attributes {stable_mosaic.version = 14 : i64} {
  func.func @_tc_body(%arg0: i32, %arg1: memref<4096x768xf32, #tpu.memory_space<vmem>>, %arg2: memref<20x768xf32, #tpu.memory_space<vmem>>, %arg3: memref<20x4096xf32, #tpu.memory_space<vmem>>) attributes {dimension_semantics = [#tpu.dimension_semantics<arbitrary>], iteration_bounds = array<i64: 4>, scalar_prefetch = 0 : i64, scratch_operands = 0 : i64, tpu.core_type = #tpu.core_type<tc>, window_params = [{transform_indices = @transform_0, window_bounds = array<i64: 4096, 768>}, {pipeline_mode = #tpu.pipeline_mode<synchronous>, transform_indices = @transform_1, window_bounds = array<i64: 20, 768>}, {transform_indices = @transform_2, window_bounds = array<i64: 20, 4096>}]} {
    %get3A = arith.constant 0 : index
    %get3A_0 = arith.constant 0 : index
    %get3A_1 = vector.load %arg1[%get3A, %get3A_0] : memref<4096x768xf32, #tpu.memory_space<vmem>>, vector<4096x768xf32>
    %get3A_2 = arith.constant 0 : index
    %get3A_3 = arith.constant 0 : index
    %get3A_4 = vector.load %arg2[%get3A_2, %get3A_3] : memref<20x768xf32, #tpu.memory_space<vmem>>, vector<20x768xf32>
    %mul3A = arith.mulf %get3A_4, %get3A_4 : vector<20x768xf32>
    %reduce_sum3A = arith.constant dense<0.000000e+00> : vector<20xf32>
    %reduce_sum3A_5 = vector.multi_reduction <add>, %mul3A, %reduce_sum3A [1] : vector<20x768xf32> to vector<20xf32>
    %broadcast_in_dim3A = vector.shape_cast %reduce_sum3A_5 : vector<20xf32> to vector<20x1xf32>
    %sqrt3A = math.sqrt %broadcast_in_dim3A : vector<20x1xf32>
    %max3A = arith.constant 9.99999996E-13 : f32
    %max3A_6 = vector.broadcast %max3A : f32 to vector<20x1xf32>
    %max3A_7 = arith.maximumf %sqrt3A, %max3A_6 : vector<20x1xf32>
    %div3A = vector.broadcast %max3A_7 : vector<20x1xf32> to vector<20x768xf32>
    %div3A_8 = arith.divf %get3A_4, %div3A : vector<20x768xf32>
    %broadcast_in_dim3A_9 = arith.constant 1.000000e+00 : f32
    %broadcast_in_dim3A_10 = vector.broadcast %broadcast_in_dim3A_9 : f32 to vector<1x768xf32>
    %mul3A_11 = arith.mulf %get3A_1, %get3A_1 : vector<4096x768xf32>
    %dot_general3A = arith.constant dense<0.000000e+00> : vector<1x4096xf32>
    %dot_general3A_12 = tpu.matmul %broadcast_in_dim3A_10, %mul3A_11, %dot_general3A {dimension_numbers = #tpu.dot_dimension_numbers<[1], [1], [0], [0], [0, 0, 1, 0], [], []>, transpose_lhs_hint = false} : vector<1x768xf32>, vector<4096x768xf32>, vector<1x4096xf32> -> vector<1x4096xf32>
    %sqrt3A_13 = math.sqrt %dot_general3A_12 : vector<1x4096xf32>
    %max3A_14 = arith.constant 9.99999996E-13 : f32
    %max3A_15 = vector.broadcast %max3A_14 : f32 to vector<1x4096xf32>
    %max3A_16 = arith.maximumf %sqrt3A_13, %max3A_15 : vector<1x4096xf32>
    %div3A_17 = arith.constant 1.000000e+00 : f32
    %div3A_18 = vector.broadcast %div3A_17 : f32 to vector<1x4096xf32>
    %div3A_19 = arith.divf %div3A_18, %max3A_16 : vector<1x4096xf32>
    %dot_general3A_20 = arith.constant dense<0.000000e+00> : vector<20x4096xf32>
    %dot_general3A_21 = tpu.matmul %div3A_8, %get3A_1, %dot_general3A_20 {dimension_numbers = #tpu.dot_dimension_numbers<[1], [1], [0], [0], [0, 0, 1, 0], [], []>, transpose_lhs_hint = false} : vector<20x768xf32>, vector<4096x768xf32>, vector<20x4096xf32> -> vector<20x4096xf32>
    %mul3A_22 = vector.broadcast %div3A_19 : vector<1x4096xf32> to vector<20x4096xf32>
    %mul3A_23 = arith.mulf %dot_general3A_21, %mul3A_22 : vector<20x4096xf32>
    %swap3A = arith.constant 0 : index
    %swap3A_24 = arith.constant 0 : index
    %swap3A_25 = vector.load %arg3[%swap3A, %swap3A_24] : memref<20x4096xf32, #tpu.memory_space<vmem>>, vector<20x4096xf32>
    tpu.vector_store %arg3[%swap3A, %swap3A_24], %mul3A_23 {strides = array<i32>} : memref<20x4096xf32, #tpu.memory_space<vmem>>, vector<20x4096xf32>,
    return
  }
  func.func @transform_0(%arg0: i32) -> (i32, i32) {
    %c0_i32 = arith.constant 0 : i32
    %c0_i32_0 = arith.constant 0 : i32
    return %arg0, %c0_i32 : i32, i32
  }
  func.func @transform_1(%arg0: i32) -> (i32, i32) {
    %c0_i32 = arith.constant 0 : i32
    %c0_i32_0 = arith.constant 0 : i32
    %c0_i32_1 = arith.constant 0 : i32
    return %c0_i32, %c0_i32_0 : i32, i32
  }
  func.func @transform_2(%arg0: i32) -> (i32, i32) {
    %c0_i32 = arith.constant 0 : i32
    %c0_i32_0 = arith.constant 0 : i32
    return %c0_i32, %arg0 : i32, i32
  }
}

</mosaic_0001>

<sc_bundles>
// kernel: kernel.4.cloned.1.call-start
scs
__scs_entry_jumppad:
0x0: {  	(pc) =	sbr.rel $0x88, $3  }
0x1: {  	(tag) =	ssettag $0x0;
	lr =	simm.s32 $0x1  }
0x2: {  	[smem:$0x3F9E] =	sst lr;
	_ =	strace $0xD0000000  }
0x3: {  	_ = 	snop  }
0x4: {  	_ = 	snop  }
0x5: {  	_ = 	snop  }
0x6: {  	_ = 	snop  }
0x7: {  	_ = 	snop  }
__scs_overlays_trampoline_lowered:
0x8: {  	[smem:$0x3FAD] =	sst s0  }
0x9: {  	[smem:$0x3FAE] =	sst s1  }
0xa: {  	[smem:$0x3FAF] =	sst s2  }
0xb: {  	[smem:$0x3FB0] =	sst s3  }
0xc: {  	[smem:$0x3FB1] =	sst s4  }
0xd: {  	[smem:$0x3FB2] =	sst s5  }
0xe: {  	[smem:$0x3FB3] =	sst s6  }
0xf: {  	[smem:$0x3FB4] =	sst s7  }
0x10: {  	[smem:$0x3FB5] =	sst s8  }
0x11: {  	[smem:$0x3FB6] =	sst s9;
	s0 =	simm.s32 @!p0 $0x0  }
0x12: {  	s1 =	sld [smem:$0x3F9C];
	s0 =	simm.s32 @p0 $0x1  }
0x13: {  	[smem:$0x3FB7] =	sst s0;
	s0 =	simm.s32 @!p1 $0x0  }
0x14: {  	s2 =	sld [smem:$0x3F9B];
	s0 =	simm.s32 @p1 $0x1  }
0x15: {  	[smem:$0x3FB8] =	sst s0;
	s0 =	simm.s32 @!p2 $0x0  }
0x16: {  	s3 =	sld [smem:$0x3FDB];
	s0 =	simm.s32 @p2 $0x1  }
0x17: {  	s4 =	simm.s32 $0x1BF5;
	[smem:$0x3FBA] =	sst s0  }
0x18: {  	s0 =	sld [smem:$0x3F9D];
	_ =	swait.ge [sflag:s4], $0x0  }
0x19: {  	s7 =	sld [smem:$0x3F9E]  }
0x1a: {  	s8 =	sadd.s32 $0xFFFFE003, lr  }
0x1b: {  	s9 =	sadd.s32 $0xFFFFFEF7, lr;
	s5 =	simm.s32 $0xFFFFFFFF;
	p2 =	slt.u32 s8, $0xFFFFF086  }
0x1c: {  	p1 =	slt.u32 s9, $0xF7A;
	s5 =	simm.s32 @!p2 $0x0  }
0x1d: {  	s5 =	simm.s32 @p1 $0x1;
	p0 =	seq.s32 s7, s2  }
0x1e: {  	s7 =	smul.u32 @!p0 $0xF7A, s2;
	p2 =	seq.s32 @!p0 s5, $0x0  }
0x1f: {  	s9 =	smul.u32 $0xF7A, s1;
	s8 =	simm.s32 @!p0 $0x1BF5;
	p2 =	por !p2, p0  }
0x20: {  	[sflag:s8] =	ssyncset.s32 @!p0 $0xFFFFF086;
	s6 =	sadd.s32 @!p0 s3, s7;
	s7 =	simm.s32 @!p0 $0x108  }
0x21: {  	s3 =	sadd.s32 s3, s9;
	s6 =	sadd.s32 @!p0 $0x88, s6;
	s7 =	simm.s32 @p2 $0x1082  }
0x22: {  	[simem:s7], [sflag:s8] =	dma.local @!p0 [hbm:s6], $0xF7A  }
0x23: {  	s9 =	sor.u32 $0xD0000000, s2;
	s6 =	simm.s32 $0x108;
	_ =	swait.ge @!p0 [sflag:s8], $0x0  }
0x24: {  	s3 =	sadd.s32 $0x88, s3;
	s6 =	simm.s32 @!p1 $0x1082;
	[sflag:s4] =	ssyncset.s32 $0xFFFFF086  }
0x25: {  	[simem:s6], [sflag:s4] =	dma.local [hbm:s3], $0xF7A  }
0x26: {  	[smem:$0x3F9E] =	sst s1;
	(tag) =	ssettag s2;
	_ =	strace s9  }
0x27: {  	s1 =	sld [smem:$0x3FAE]  }
0x28: {  	s2 =	sld [smem:$0x3FAF]  }
0x29: {  	s4 =	sld [smem:$0x3FB1]  }
0x2a: {  	p0 =	seq.s32 s5, $0x0;
	s5 =	sld [smem:$0x3FB2]  }
0x2b: {  	s6 =	sld [smem:$0x3FB3]  }
0x2c: {  	s7 =	sld [smem:$0x3FB4]  }
0x2d: {  	s3 =	simm.s32 $0x108;
	s8 =	sld [smem:$0x3FB5]  }
0x2e: {  	s3 =	simm.s32 @!p0 $0x1082;
	s9 =	sld [smem:$0x3FB6]  }
0x2f: {  	lr =	sadd.s32 s0, s3;
	s0 =	sld [smem:$0x3FAD]  }
0x30: {  	s3 =	sld [smem:$0x3FB0]  }
0x31: {  	[smem:$0x3FB9] =	sst s10  }
0x32: {  	s10 =	sld [smem:$0x3FB7];
	_ =	sdelay $0x3  }
0x33: {  	p0 =	seq.s32 s10, $0x1;
	s10 =	sld [smem:$0x3FB9];
	_ =	sdelay $0x3  }
0x34: {  	[smem:$0x3FB9] =	sst s10  }
0x35: {  	s10 =	sld [smem:$0x3FB8];
	_ =	sdelay $0x3  }
0x36: {  	p1 =	seq.s32 s10, $0x1;
	s10 =	sld [smem:$0x3FB9];
	_ =	sdelay $0x3  }
0x37: {  	[smem:$0x3FB9] =	sst s10  }
0x38: {  	s10 =	sld [smem:$0x3FBA]  }
0x39: {  	_ = 	snop;
	(pc) =	sbr.ind lr, $3  }
0x3a: {  	_ = 	snop  }
0x3b: {  	_ = 	snop  }
0x3c: {  	p2 =	seq.s32 s10, $0x1;
	s10 =	sld [smem:$0x3FB9]  }
0x3d: {  	_ =	shalt  }
0x3e: {  	_ =	shalt  }
0x3f: {  	_ =	shalt  }
0x40: {  	_ =	shalt  }
0x41: {  	_ =	shalt  }
0x42: {  	_ =	shalt  }
0x43: {  	_ =	shalt  }
0x44: {  	_ =	shalt  }
0x45: {  	_ =	shalt  }
0x46: {  	_ =	shalt  }
0x47: {  	_ =	shalt  }
0x48: {  	_ =	shalt  }
0x49: {  	_ =	shalt  }
0x4a: {  	_ =	shalt  }
0x4b: {  	_ =	shalt  }
0x4c: {  	_ =	shalt  }
0x4d: {  	_ =	shalt  }
0x4e: {  	_ =	shalt  }
0x4f: {  	_ =	shalt  }
0x50: {  	_ =	shalt  }
0x51: {  	_ =	shalt  }
0x52: {  	_ =	shalt  }
0x53: {  	_ =	shalt  }
0x54: {  	_ =	shalt  }
0x55: {  	_ =	shalt  }
0x56: {  	_ =	shalt  }
0x57: {  	_ =	shalt  }
0x58: {  	_ =	shalt  }
0x59: {  	_ =	shalt  }
0x5a: {  	_ =	shalt  }
0x5b: {  	_ =	shalt  }
0x5c: {  	_ =	shalt  }
0x5d: {  	_ =	shalt  }
0x5e: {  	_ =	shalt  }
0x5f: {  	_ =	shalt  }
0x60: {  	_ =	shalt  }
0x61: {  	_ =	shalt  }
0x62: {  	_ =	shalt  }
0x63: {  	_ =	shalt  }
0x64: {  	_ =	shalt  }
0x65: {  	_ =	shalt  }
0x66: {  	_ =	shalt  }
0x67: {  	_ =	shalt  }
0x68: {  	_ =	shalt  }
0x69: {  	_ =	shalt  }
0x6a: {  	_ =	shalt  }
0x6b: {  	_ =	shalt  }
0x6c: {  	_ =	shalt  }
0x6d: {  	_ =	shalt  }
0x6e: {  	_ =	shalt  }
0x6f: {  	_ =	shalt  }
0x70: {  	_ =	shalt  }
0x71: {  	_ =	shalt  }
0x72: {  	_ =	shalt  }
0x73: {  	_ =	shalt  }
0x74: {  	_ =	shalt  }
0x75: {  	_ =	shalt  }
0x76: {  	_ =	shalt  }
0x77: {  	_ =	shalt  }
0x78: {  	_ =	shalt  }
0x79: {  	_ =	shalt  }
0x7a: {  	_ =	shalt  }
0x7b: {  	_ =	shalt  }
0x7c: {  	_ =	shalt  }
0x7d: {  	_ =	shalt  }
0x7e: {  	_ =	shalt  }
0x7f: {  	_ =	shalt  }
0x80: {  	_ =	shalt  }
0x81: {  	_ =	shalt  }
0x82: {  	_ =	shalt  }
0x83: {  	_ =	shalt  }
0x84: {  	_ =	shalt  }
0x85: {  	_ =	shalt  }
0x86: {  	_ =	shalt  }
0x87: {  	_ =	shalt  }
.Lfunc_end0:
.L_simem_size_0:
called_computation_lowered:
.L_overlay_start_0:
0x88: {  	s2 =	sld [smem:$0x3FD9]  }
0x89: {  	s3 =	sld [smem:$0x3FFE];
	_ =	sdelay $0x1  }
0x8a: {  	s1 =	srdreg.scid  }
0x8b: {  	s0 =	sand.u32 $0x1, s1  }
0x8c: {  	s16 =	sshll.u32 s0, $0xA;
	s2 =	sadd.s32 s3, s2  }
0x8d: {  	s2 =	sadd.s32 s2, s16  }
0x8e: {  	[smem:$0x3FC5] =	sst s2  }
0x8f: {  	_ = 	snop  }
0x90: {  	(tm) =	ssettm $0x1  }
0x91: {  	s17 =	sld [smem:$0x3FFB];
	_ =	sdelay $0x3  }
0x92: {  	_ =	strace s17  }
0x93: {  	s2 =	sld [smem:$0x3FFC];
	_ =	sdelay $0x3  }
0x94: {  	_ =	strace s2  }
0x95: {  	s2 =	sld [smem:$0x3FFD];
	_ =	sdelay $0x3  }
0x96: {  	_ =	strace s2  }
0x97: {  	_ =	strace $0x8FFFFFFF  }
0x98: {  	s18 =	sld [smem:$0x3FDB];
	_ =	sdelay $0x1  }
0x99: {  	s19 =	simm.s32 $_scs_section_size  }
0x9a: {  	s4 =	simm.s32 $_size__tile_overlayer_lowered;
	s5 =	simm.s32 $_tile_overlayer_lowered  }
0x9b: {  	s22 =	simm.s32 $0x1BFF;
	s21 =	sshll.u32 s5, $0x1;
	s2 =	sadd.s32 s19, s18  }
0x9c: {  	s6 =	simm.s32 $0x0;
	s20 =	sshll.u32 s4, $0x1;
	s4 =	sadd.s32 s21, s2  }
0x9d: {  	[timem:s6], [sflag:s22] =	dma.local [hbm:s4], s20  }
0x9e: {  	_ =	swait.ge [sflag:s22], s20  }
0x9f: {  	s3 =	ssub.s32 $0x0, s20;
	[sflag:s22] =	ssyncset.done $0x0  }
0xa0: {  	[sflag:s22] =	ssyncadd.s32 s3;
	_ =	sdelay $0x1  }
0xa1: {  	s23 =	simm.s32 $0x1B8B  }
0xa2: {  	_ =	swait.ge [sflag:s23], $0x1  }
0xa3: {  	[sflag:s23] =	ssyncset.done $0x0  }
0xa4: {  	s25 =	simm.s32 $0x1B8E;
	s24 =	sld [smem:$0x3FFE];
	[sflag:s23] =	ssyncadd.s32 $0xFFFFFFFF  }
0xa5: {  	s26 =	simm.s32 $execute0_lowered;
	[smem:$0x3FD2] =	sst s25  }
0xa6: {  	s4 =	sshll.u32 s26, $0x1;
	_ =	strace $0x80000046;
	[dreg:$0x1] =	wrdreg $0xFFFFFFFF  }
0xa7: {  	s28 =	simm.s32 $_size_execute0_lowered;
	s2 =	sadd.s32 s2, s4;
	[dreg:$0x0] =	wrdreg $0x0  }
0xa8: {  	s4 =	sshll.u32 s28, $0x1;
	[dreg:$0x2] =	wrdreg s2  }
0xa9: {  	[dreg:$0x3] =	wrdreg s4  }
0xaa: {  	[dreg:$0x4] =	wrdreg $0xC0  }
0xab: {  	_ =	task [dreg:s6], $0x5FFFF  }
0xac: {  	[dreg:$0x1] =	wrdreg $0xFFFFFFFF  }
0xad: {  	[dreg:$0x0] =	wrdreg $0x60  }
0xae: {  	[dreg:$0x2] =	wrdreg s24  }
0xaf: {  	[dreg:$0x3] =	wrdreg $0x9  }
0xb0: {  	_ =	task.clear_ibuf [dreg:s6], $0x4FFFF;
	_ =	strace $0x90000046  }
0xb1: {  	s29 =	simm.s32 $0x9;
	_ =	strace $0x80000048  }
0xb2: {  	_ =	swait.ge [sflag:s29], $0x1  }
0xb3: {  	[sflag:s29] =	ssyncadd.s32 $0xFFFFFFFF  }
0xb4: {  	_ =	strace $0x90000048  }
0xb5: {  	_ =	sfence  }
0xb6: {  	s30 =	sld [smem:$0x0];
	_ =	sdelay $0x2  }
0xb7: {  	s31 =	sshll.u32 s1, $0xD;
	s1 =	sshrl.u32 s1, $0x2  }
0xb8: {  	s3 =	sand.u32 $0x4000, s31;
	s1 =	sadd.s32 s1, s30  }
0xb9: {  	s0 =	sor.u32 s3, s0;
	s1 =	sshll.u32 s1, $0x11  }
0xba: {  	s0 =	sor.u32 s1, s0  }
0xbb: {  	s0 =	sadd.s32 $0x8F2B, s0  }
0xbc: {  	[sflag:s0] =	ssyncadd.remote.s32 $0x1  }
0xbd: {  	_ =	sfence.sel $0xFFFF  }
0xbe: {  	[dreg:$0x0] =	wrdreg $0xFFFFFFFF;
	(pc) =	sbr.abs _section_cstart, $3  }
0xbf: {  	[dreg:$0x1] =	wrdreg $0xFFFFFFFF  }
0xc0: {  	_ =	task.clear_ibuf [dreg:s6], $0x2FFFF;
	_ =	strace $0x9FFFFFFF  }
0xc1: {  	(tm) =	ssettm $0x7FFFFFFF  }
tec
execute0_lowered:
.L_overlay_start_1:
0x0: {  	(tag) =	ssettag $0x1  }
0x1: {  	s3 =	rddreg [dreg:$0x0]  }
0x2: {  	s0 =	rddreg [dreg:$0x1];
	s2 =	simm.s32 $0x0;
	s4 =	srdreg.scid  }
0x3: {  	s1 =	stileid.u32;
	s8 =	simm.s32 $0x1;
	s9 =	simm.s32 $0x3000  }
0x4: {  	[smem:$0x7FF] =	sst s2;
	s4 =	sand.u32 $0x1, s4;
	s5 =	sshll.u32 s1, $0x1  }
0x5: {  	s10 =	simm.s32 $0x0;
	_ =	strace $0x80000047;
	s5 =	sor.u32 s4, s5  }
0x6: {  	s4 =	ssub.s32 $0x2, s4;
	s6 =	sshll.u32 s5, $0x9;
	s5 =	sshll.u32 s5, $0x1  }
0x7: {  	s31 =	sshrl.u32 s4, $0x1;
	s6 =	sadd.s32 s6, s3;
	s5 =	sadd.s32 s5, s3  }
0x8: {  	s7 =	ssub.s32 s4, s31;
	s3 =	sadd.s32 $0x400, s6;
	s4 =	sadd.s32 $0xC400, s5  }
0x9: {  	s5 =	smax.u32 s7, $0x1;
	s6 =	simm.s32 $0x1000;
	s7 =	simm.s32 $0x20000  }
.LBB2_1:
0xa: {  	[tilespmem:s2], [sflag:$0x1] =	stream.strided.gather [hbm4b:s3+s6], $0x3000, s7, s6, $0x38;
	[tilespmem:$0x3080] =	vst v63  }
0xb: {  	_ =	swait.ge [sflag:s8], $0x3000  }
0xc: {  	s11 =	sand.u32 $0x70, s2;
	s12 =	sand.u32 $0xC00, s2;
	[sflag:s8] =	ssyncset.done $0x0  }
0xd: {  	s11 =	sor.u32 s11, s12;
	[sflag:s8] =	ssyncadd.s32 $0xFFFFD000  }
0xe: {  	v1 =	vld [tilespmem:s11+$0x200]  }
0xf: {  	s31 =	sor.u32 s2, s2;
	v2 =	vld [tilespmem:s11+$0x280]  }
0x10: {  	s12 =	sor.u32 $0x380, s31;
	v3 =	vld [tilespmem:s11+$0x300]  }
0x11: {  	v4 =	vld [tilespmem:s12+$0x0]  }
0x12: {  	v5 =	vld [tilespmem:s11+$0x1200]  }
0x13: {  	v6 =	vld [tilespmem:s11+$0x1280]  }
0x14: {  	v7 =	vld [tilespmem:s11+$0x1300]  }
0x15: {  	v8 =	vld [tilespmem:s11+$0x1380]  }
0x16: {  	v9 =	vld [tilespmem:s11+$0x0]  }
0x17: {  	v10 =	vld [tilespmem:s11+$0x80]  }
0x18: {  	v11 =	vld [tilespmem:s11+$0x100]  }
0x19: {  	v12 =	vld [tilespmem:s11+$0x180]  }
0x1a: {  	v13 =	vld [tilespmem:s11+$0x2000]  }
0x1b: {  	v14 =	vld [tilespmem:s11+$0x2080]  }
0x1c: {  	v15 =	vld [tilespmem:s11+$0x2100]  }
0x1d: {  	v16 =	vld [tilespmem:s11+$0x2180];
	_ =	sdelay $0x1  }
0x1e: {  	v0 =	vimm.f32 $0.0e+00;
	v17 =	vld [tilespmem:s11+$0x1000]  }
0x1f: {  	v21 =	vld [tilespmem:s11+$0x1080];
	v18 =	vmax.f32 v1, v5;
	v19 =	vmax.f32 v2, v6;
	v20 =	vmax.f32 v3, v7  }
0x20: {  	v25 =	vld [tilespmem:s11+$0x1100];
	v22 =	vmax.f32 v4, v8;
	v23 =	vmax.f32 v9, v13;
	v24 =	vmax.f32 v10, v14  }
0x21: {  	v26 =	vmax.f32 v11, v15;
	v27 =	vmax.f32 v12, v16;
	v1 =	vmin.f32 v1, v5  }
0x22: {  	v2 =	vmin.f32 v2, v6;
	v3 =	vmin.f32 v3, v7;
	v4 =	vmin.f32 v4, v8  }
0x23: {  	v6 =	vmin.f32 v9, v13;
	v7 =	vmin.f32 v10, v14;
	v8 =	vmin.f32 v11, v15  }
0x24: {  	v9 =	vmin.f32 v12, v16;
	v10 =	vmin.f32 v6, v17;
	v6 =	vmax.f32 v6, v17  }
0x25: {  	v5 =	vld [tilespmem:s11+$0x1180];
	v11 =	vmin.f32 v7, v21;
	v7 =	vmax.f32 v7, v21;
	v12 =	vmin.f32 v8, v25  }
0x26: {  	v8 =	vmax.f32 v8, v25;
	v14 =	vmin.f32 v11, v2;
	v15 =	vmin.f32 v12, v3  }
0x27: {  	v16 =	vmin.f32 v6, v23;
	v6 =	vmax.f32 v6, v23;
	v21 =	vmin.f32 v7, v24  }
0x28: {  	v7 =	vmax.f32 v7, v24;
	v23 =	vmin.f32 v8, v26;
	v2 =	vmax.f32 v11, v2  }
0x29: {  	v8 =	vmax.f32 v8, v26;
	v3 =	vmax.f32 v12, v3;
	v60 =	vmin.f32 v2, v7  }
0x2a: {  	v61 =	vmin.f32 v3, v8;
	v2 =	vmax.f32 v2, v7;
	v13 =	vmin.f32 v9, v5  }
0x2b: {  	v5 =	vmax.f32 v9, v5;
	v9 =	vmin.f32 v10, v1;
	v1 =	vmax.f32 v10, v1  }
0x2c: {  	v17 =	vmin.f32 v13, v4;
	v58 =	vmin.f32 v5, v27;
	v59 =	vmax.f32 v5, v27  }
0x2d: {  	v10 =	vmax.f32 v13, v4;
	v11 =	vmin.f32 v9, v15;
	v13 =	vmin.f32 v16, v18  }
0x2e: {  	v5 =	vmax.f32 v9, v15;
	v9 =	vmin.f32 v21, v19;
	v16 =	vmax.f32 v16, v18  }
0x2f: {  	v18 =	vmax.f32 v21, v19;
	v12 =	vmin.f32 v14, v17;
	v4 =	vmax.f32 v14, v17  }
0x30: {  	v14 =	vmin.f32 v23, v20;
	v15 =	vmin.f32 v58, v22;
	v17 =	vmin.f32 v1, v6  }
0x31: {  	v19 =	vmin.f32 v10, v59;
	v20 =	vmax.f32 v23, v20;
	v21 =	vmax.f32 v58, v22  }
0x32: {  	v1 =	vmax.f32 v1, v6;
	v6 =	vmax.f32 v3, v8;
	v7 =	vmax.f32 v10, v59  }
0x33: {  	v22 =	vmin.f32 v60, v9;
	v28 =	vmin.f32 v18, v2;
	v10 =	vmax.f32 v60, v9  }
0x34: {  	v8 =	vmin.f32 v17, v13;
	v3 =	vmax.f32 v11, v12;
	v23 =	vmin.f32 v61, v14  }
0x35: {  	v62 =	vmin.f32 v19, v15;
	v63 =	vmin.f32 v16, v1;
	v29 =	vmin.f32 v20, v6  }
0x36: {  	v30 =	vmin.f32 v21, v7;
	v11 =	vmax.f32 v17, v13;
	v14 =	vmax.f32 v61, v14  }
0x37: {  	v12 =	vmax.f32 v19, v15;
	v13 =	vmax.f32 v16, v1;
	v15 =	vmax.f32 v20, v6  }
0x38: {  	v17 =	vmax.f32 v18, v2;
	v18 =	vmax.f32 v21, v7;
	v1 =	vmax.f32 v13, v15  }
0x39: {  	v7 =	vmin.f32 v8, v23;
	v19 =	vmax.f32 v8, v23;
	v2 =	vmax.f32 v17, v18  }
0x3a: {  	v6 =	vmin.f32 v22, v62;
	v16 =	vmax.f32 v22, v62;
	v21 =	vmin.f32 v63, v29  }
0x3b: {  	s12 =	simm.s32 $0x0;
	s11 =	simm.s32 $0x10;
	v8 =	vmax.f32 v63, v29;
	v20 =	vmin.f32 v28, v30;
	v9 =	vmax.f32 v28, v30  }
.LBB2_2:
0x3c: {  	p0 =	sne.s32 s11, $0x1F0;
	v22 =	vmin.f32 v11, v14;
	v11 =	vmax.f32 v11, v14;
	v14 =	vmin.f32 v10, v12  }
0x3d: {  	v10 =	vmax.f32 v10, v12;
	v12 =	vmin.f32 v13, v15;
	v13 =	vmin.f32 v17, v18  }
0x3e: {  	v15 =	vmin.f32 v19, v21;
	v17 =	vmax.f32 v19, v21;
	v18 =	vmin.f32 v1, v2;
	s12 =	sadd.s32 $0x80, s12  }
0x3f: {  	s13 =	sand.u32 $0x70, s11;
	v21 =	vmin.f32 v16, v20;
	v16 =	vmax.f32 v16, v20;
	s14 =	sand.u32 $0xC00, s12;
	v19 =	vmin.f32 v5, v12  }
0x40: {  	v5 =	vmax.f32 v5, v12;
	v12 =	vmin.f32 v4, v13;
	v4 =	vmax.f32 v4, v13;
	s13 =	sor.u32 s13, s14  }
0x41: {  	v20 =	vmax.f32 v19, v22;
	v23 =	vmax.f32 v12, v14;
	v24 =	vmin.f32 v11, v5;
	v13 =	vld [tilespmem:s13+$0x200]  }
0x42: {  	s14 =	sor.u32 s12, s11;
	v19 =	vmin.f32 v19, v22;
	v12 =	vmin.f32 v12, v14;
	v14 =	vmin.f32 v10, v4;
	v25 =	vld [tilespmem:s13+$0x280]  }
0x43: {  	v5 =	vmax.f32 v11, v5;
	v4 =	vmax.f32 v10, v4;
	s14 =	sor.u32 $0x380, s14;
	v10 =	vmax.f32 v19, v7;
	v22 =	vld [tilespmem:s13+$0x300]  }
0x44: {  	v26 =	vmax.f32 v12, v6;
	v27 =	vmin.f32 v15, v20;
	v15 =	vmax.f32 v15, v20;
	v11 =	vld [tilespmem:s14+$0x0]  }
0x45: {  	v28 =	vmin.f32 v21, v23;
	v21 =	vmax.f32 v21, v23;
	v23 =	vmin.f32 v24, v17;
	v20 =	vld [tilespmem:s13+$0x1200]  }
0x46: {  	v17 =	vmax.f32 v24, v17;
	v24 =	vmin.f32 v14, v16;
	v14 =	vmax.f32 v14, v16;
	v29 =	vld [tilespmem:s13+$0x1280]  }
0x47: {  	v7 =	vmin.f32 v19, v7;
	v19 =	vmin.f32 v8, v5;
	v30 =	vmin.f32 v9, v4;
	v16 =	vld [tilespmem:s13+$0x1300]  }
0x48: {  	v6 =	vmin.f32 v12, v6;
	v5 =	vmax.f32 v8, v5;
	v4 =	vmax.f32 v9, v4;
	v31 =	vld [tilespmem:s13+$0x1380]  }
0x49: {  	v9 =	vmax.f32 v10, v26;
	v10 =	vmax.f32 v27, v28;
	v12 =	vmax.f32 v17, v14;
	v8 =	vld [tilespmem:s13+$0x0]  }
0x4a: {  	v15 =	vmax.f32 v15, v21;
	v21 =	vmax.f32 v23, v24;
	v14 =	vmin.f32 v17, v14;
	v26 =	vld [tilespmem:s13+$0x80]  }
0x4b: {  	v6 =	vmax.f32 v7, v6;
	v7 =	vmin.f32 v19, v30;
	v23 =	vmin.f32 v5, v4;
	v17 =	vld [tilespmem:s13+$0x100]  }
0x4c: {  	v3 =	vmax.f32 v3, v23;
	v6 =	vmax.f32 v6, v18;
	v9 =	vmax.f32 v9, v14;
	v24 =	vld [tilespmem:s13+$0x180]  }
0x4d: {  	v7 =	vmax.f32 v10, v7;
	v10 =	vmin.f32 v15, v3;
	v18 =	vmin.f32 v21, v6;
	v14 =	vld [tilespmem:s13+$0x2000]  }
0x4e: {  	v3 =	vmax.f32 v15, v3;
	v9 =	vmax.f32 v10, v9;
	v10 =	vmin.f32 v18, v7;
	v23 =	vld [tilespmem:s13+$0x2080]  }
0x4f: {  	v7 =	vmax.f32 v18, v7;
	v18 =	vmin.f32 v12, v3;
	v9 =	vadd.f32 v9, v10;
	v15 =	vld [tilespmem:s13+$0x2100]  }
0x50: {  	v32 =	vmin.f32 v18, v7;
	v27 =	vmax.f32 v13, v20;
	v28 =	vmax.f32 v25, v29;
	v10 =	vld [tilespmem:s13+$0x2180]  }
0x51: {  	v9 =	vadd.f32 v32, v9;
	v33 =	vmax.f32 v22, v16;
	v34 =	vmax.f32 v11, v31  }
0x52: {  	v19 =	vmax.f32 v19, v30;
	v6 =	vmax.f32 v21, v6;
	v7 =	vmax.f32 v18, v7  }
0x53: {  	v3 =	vmax.f32 v12, v3;
	v12 =	vmin.f32 v19, v6;
	v7 =	vadd.f32 v9, v7  }
0x54: {  	v21 =	vmin.f32 v12, v3;
	v9 =	vmax.f32 v8, v14;
	v18 =	vmax.f32 v26, v23  }
0x55: {  	v7 =	vadd.f32 v7, v21;
	v30 =	vmax.f32 v17, v15;
	v32 =	vmax.f32 v24, v10  }
0x56: {  	v3 =	vmax.f32 v12, v3;
	v13 =	vmin.f32 v13, v20;
	v20 =	vmin.f32 v25, v29;
	v21 =	vld [tilespmem:s13+$0x1000]  }
0x57: {  	v4 =	vmax.f32 v5, v4;
	v5 =	vmax.f32 v19, v6;
	v3 =	vadd.f32 v7, v3;
	v12 =	vld [tilespmem:s13+$0x1080]  }
0x58: {  	v7 =	vmin.f32 v22, v16;
	v16 =	vmin.f32 v4, v5;
	v11 =	vmin.f32 v11, v31;
	v6 =	vld [tilespmem:s13+$0x1100]  }
0x59: {  	v3 =	vadd.f32 v3, v16;
	v8 =	vmin.f32 v8, v14;
	v14 =	vmin.f32 v26, v23;
	v19 =	vld [tilespmem:s13+$0x1180]  }
0x5a: {  	v4 =	vmax.f32 v4, v5;
	v15 =	vmin.f32 v17, v15;
	v10 =	vmin.f32 v24, v10  }
0x5b: {  	v3 =	vadd.f32 v3, v4;
	v5 =	vmin.f32 v8, v21;
	v8 =	vmax.f32 v8, v21  }
0x5c: {  	v1 =	vmax.f32 v1, v2;
	v4 =	vmin.f32 v14, v12;
	v12 =	vmax.f32 v14, v12  }
0x5d: {  	v1 =	vadd.f32 v3, v1;
	v2 =	vmin.f32 v15, v6;
	v6 =	vmax.f32 v15, v6  }
0x5e: {  	v14 =	vmin.f32 v5, v13;
	v3 =	vmin.f32 v10, v19;
	v10 =	vmax.f32 v10, v19  }
0x5f: {  	v0 =	vadd.f32 v1, v0;
	v15 =	vmin.f32 v4, v20;
	v16 =	vmin.f32 v2, v7  }
0x60: {  	v1 =	vmin.f32 v8, v9;
	v8 =	vmax.f32 v8, v9;
	v9 =	vmin.f32 v3, v11  }
0x61: {  	v17 =	vmin.f32 v12, v18;
	v12 =	vmax.f32 v12, v18;
	v18 =	vmin.f32 v6, v30  }
0x62: {  	v6 =	vmax.f32 v6, v30;
	v19 =	vmin.f32 v10, v32;
	v10 =	vmax.f32 v10, v32  }
0x63: {  	v13 =	vmax.f32 v5, v13;
	v20 =	vmax.f32 v4, v20;
	v2 =	vmax.f32 v2, v7  }
0x64: {  	v3 =	vmax.f32 v3, v11;
	v7 =	vmin.f32 v14, v16;
	v11 =	vmin.f32 v15, v9  }
0x65: {  	v21 =	vmin.f32 v1, v27;
	v5 =	vmax.f32 v14, v16;
	v4 =	vmax.f32 v15, v9  }
0x66: {  	v14 =	vmin.f32 v18, v33;
	v9 =	vmin.f32 v17, v28;
	v15 =	vmin.f32 v19, v34  }
0x67: {  	v22 =	vmin.f32 v20, v12;
	v16 =	vmin.f32 v13, v8;
	v23 =	vmin.f32 v2, v6  }
0x68: {  	v1 =	vmax.f32 v1, v27;
	v17 =	vmax.f32 v17, v28;
	v24 =	vmin.f32 v3, v10  }
0x69: {  	v18 =	vmax.f32 v18, v33;
	v8 =	vmax.f32 v13, v8;
	v19 =	vmax.f32 v19, v34  }
0x6a: {  	v20 =	vmax.f32 v20, v12;
	v2 =	vmax.f32 v2, v6;
	v6 =	vmax.f32 v3, v10  }
0x6b: {  	v25 =	vmin.f32 v16, v21;
	v26 =	vmin.f32 v22, v9;
	v3 =	vmax.f32 v7, v11  }
0x6c: {  	v27 =	vmin.f32 v23, v14;
	v29 =	vmin.f32 v1, v8;
	v28 =	vmin.f32 v24, v15  }
0x6d: {  	v31 =	vmin.f32 v18, v2;
	v30 =	vmin.f32 v17, v20;
	v32 =	vmin.f32 v19, v6  }
0x6e: {  	v14 =	vmax.f32 v23, v14;
	v11 =	vmax.f32 v16, v21;
	v10 =	vmax.f32 v22, v9  }
.Ltmp0:
0x6f: {  	v13 =	vmax.f32 v1, v8;
	v12 =	vmax.f32 v24, v15;
	v15 =	vmax.f32 v18, v2;
	(pc) =	sbr.rel @p0 .LBB2_2-.Ltmp0, $4  }
0x70: {  	v17 =	vmax.f32 v17, v20;
	v18 =	vmax.f32 v19, v6;
	v1 =	vmax.f32 v13, v15  }
0x71: {  	v7 =	vmin.f32 v25, v27;
	v19 =	vmax.f32 v25, v27;
	v2 =	vmax.f32 v17, v18  }
0x72: {  	v21 =	vmin.f32 v29, v31;
	v6 =	vmin.f32 v26, v28;
	v16 =	vmax.f32 v26, v28  }
0x73: {  	s11 =	sadd.s32 $0x10, s11;
	v8 =	vmax.f32 v29, v31;
	v20 =	vmin.f32 v30, v32;
	v9 =	vmax.f32 v30, v32  }
0x74: {  	v22 =	vmin.f32 v11, v14;
	v60 =	vmax.f32 v11, v14;
	v61 =	vmin.f32 v10, v12  }
0x75: {  	v62 =	vmax.f32 v10, v12;
	v63 =	vmin.f32 v13, v15;
	v24 =	vmin.f32 v17, v18  }
0x76: {  	v25 =	vmin.f32 v19, v21;
	v26 =	vmax.f32 v19, v21;
	v27 =	vmin.f32 v1, v2  }
0x77: {  	v29 =	vmin.f32 v16, v20;
	v30 =	vmax.f32 v16, v20;
	v28 =	vmin.f32 v5, v63  }
0x78: {  	v31 =	vmax.f32 v5, v63;
	v32 =	vmin.f32 v4, v24;
	v33 =	vmax.f32 v4, v24  }
0x79: {  	v34 =	vmax.f32 v28, v22;
	v35 =	vmax.f32 v32, v61;
	v23 =	vmin.f32 v60, v31  }
0x7a: {  	v19 =	vmin.f32 v28, v22;
	v12 =	vmin.f32 v32, v61;
	v36 =	vmin.f32 v62, v33  }
0x7b: {  	v5 =	vmax.f32 v60, v31;
	v4 =	vmax.f32 v62, v33;
	v37 =	vmax.f32 v19, v7  }
0x7c: {  	v38 =	vmax.f32 v12, v6;
	v39 =	vmin.f32 v25, v34;
	v13 =	vmax.f32 v25, v34  }
0x7d: {  	v40 =	vmin.f32 v29, v35;
	v20 =	vmax.f32 v29, v35;
	v41 =	vmin.f32 v23, v26  }
0x7e: {  	v17 =	vmax.f32 v23, v26;
	v42 =	vmin.f32 v36, v30;
	v14 =	vmax.f32 v36, v30  }
0x7f: {  	v43 =	vmin.f32 v19, v7;
	v44 =	vmin.f32 v8, v5;
	v45 =	vmin.f32 v9, v4  }
0x80: {  	v46 =	vmin.f32 v12, v6;
	v5 =	vmax.f32 v8, v5;
	v4 =	vmax.f32 v9, v4  }
0x81: {  	v47 =	vmax.f32 v37, v38;
	v48 =	vmax.f32 v39, v40;
	v49 =	vmax.f32 v17, v14  }
0x82: {  	v50 =	vmax.f32 v13, v20;
	v51 =	vmax.f32 v41, v42;
	v52 =	vmin.f32 v17, v14  }
0x83: {  	v6 =	vmax.f32 v43, v46;
	v53 =	vmin.f32 v44, v45;
	v54 =	vmin.f32 v5, v4  }
0x84: {  	v3 =	vmax.f32 v3, v54;
	v6 =	vmax.f32 v6, v27;
	v8 =	vmax.f32 v47, v52  }
0x85: {  	v7 =	vmax.f32 v48, v53;
	v55 =	vmin.f32 v50, v3;
	v56 =	vmin.f32 v51, v6  }
0x86: {  	v3 =	vmax.f32 v50, v3;
	v8 =	vmax.f32 v55, v8;
	v57 =	vmin.f32 v56, v7  }
0x87: {  	v7 =	vmax.f32 v56, v7;
	v11 =	vmin.f32 v49, v3;
	v8 =	vadd.f32 v8, v57  }
0x88: {  	v58 =	vmin.f32 v11, v7  }
0x89: {  	v8 =	vadd.f32 v58, v8  }
0x8a: {  	v59 =	vmax.f32 v44, v45;
	v6 =	vmax.f32 v51, v6;
	v7 =	vmax.f32 v11, v7  }
0x8b: {  	v3 =	vmax.f32 v49, v3;
	v60 =	vmin.f32 v59, v6;
	v7 =	vadd.f32 v8, v7  }
0x8c: {  	v61 =	vmin.f32 v60, v3  }
0x8d: {  	v7 =	vadd.f32 v7, v61  }
0x8e: {  	v3 =	vmax.f32 v60, v3  }
0x8f: {  	v4 =	vmax.f32 v5, v4;
	v62 =	vmax.f32 v59, v6;
	v3 =	vadd.f32 v7, v3  }
0x90: {  	v6 =	vmin.f32 v4, v62  }
0x91: {  	v3 =	vadd.f32 v3, v6  }
0x92: {  	v4 =	vmax.f32 v4, v62  }
0x93: {  	v3 =	vadd.f32 v3, v4  }
0x94: {  	v63 =	vmax.f32 v1, v2  }
0x95: {  	v1 =	vadd.f32 v3, v63;
	_ =	sdelay $0x1  }
0x96: {  	s10 =	sadd.s32 $0x1, s10;
	v0 =	vadd.f32 v1, v0  }
0x97: {  	p0 =	sne.s32 s10, s5  }
.Ltmp1:
0x98: {  	[tilespmem:$0x3000] =	vst v0;
	(pc) =	sbr.rel @p0 .LBB2_1-.Ltmp1, $4  }
0x99: {  	[hbm4b:s4+s2] =	stream.linear.scatter [tilespmem:s9], [sflag:$0x1], $0x10, $0x38;
	[tilespmem:$0x3080] =	vst v63  }
0x9a: {  	_ =	swait.ge [sflag:s8], $0x10  }
0x9b: {  	[sflag:s8] =	ssyncset.done $0x0  }
0x9c: {  	[sflag:s8] =	ssyncadd.s32 $0xFFFFFFF0  }
0x9d: {  	_ =	sfence.sel $0x180000  }
0x9e: {  	[bflag:$0x0] =	sbarrier.arrive $0xFFFF  }
0x9f: {  	p0 =	sne.s32 s1, $0x0;
	_ =	strace $0x90000047  }
0xa0: {  	s0 =	sadd.s32 @!p0 $0x100000, s0;
	[bflag:$0x2] =	sbarrier.arrive $0xFFFF  }
0xa1: {  	[sflag:s0] =	ssyncadd.tile.s32 @!p0 $0x1;
	_ =	shalt  }
.Lfunc_end2:
_tile_overlayer_lowered:
.L_overlay_start_2:
0xa2: {  	(tag) =	ssettag $0x2  }
0xa3: {  	s0 =	rddreg [dreg:$0x0];
	s2 =	stileid.u32  }
0xa4: {  	s1 =	rddreg [dreg:$0x1];
	p0 =	sne.s32 s2, $0x0  }
0xa5: {  	s3 =	rddreg [dreg:$0x2];
	[bflag:$0x3] =	sbarrier.arrive $0xFFFF;
	s2 =	simm.s32 @!p0 $0x1C01  }
0xa6: {  	[timem:s3], [sflag:s2] =	dma.local @!p0 [hbm:s0], s1  }
0xa7: {  	s0 =	simm.s32 @!p0 $0x1  }
0xa8: {  	_ =	swait.ge @!p0 [sflag:s0], s1  }
0xa9: {  	s1 =	ssub.s32 @!p0 $0x0, s1;
	[sflag:s0] =	ssyncset.done @!p0 $0x0  }
0xaa: {  	[sflag:s0] =	ssyncadd.s32 @!p0 s1  }
0xab: {  	[bflag:$0x3] =	sbarrier.arrive $0xFFFF  }
0xac: {  	_ =	shalt  }

</sc_bundles>
